<compile_context>
chip_gen: v7x
topology: tpu7x:2x2x1
jax: 0.10.2.dev20260603
libtpu: 0.0.44.dev20260713+nightly
codegen_flags: <defaults>
</compile_context>

<pallas_src>
import functools

import jax
import jax.numpy as jnp
from jax import lax
from jax.experimental import pallas as pl
from jax.experimental.pallas import tpu as pltpu
from jax.experimental.pallas import tpu_sc as plsc

DEGREE = 64
EMBED = 128
LANES = 16
WORKERS = 16
ROWS_PER_W = DEGREE // WORKERS
BLK_ROWS = 8
GROUPS = EMBED // LANES


def _sc_l1_mean(node1, l1t, a2e):
    mesh = plsc.VectorSubcoreMesh(
        core_axis_name="c", subcore_axis_name="s", num_cores=1
    )

    @functools.partial(
        pl.kernel,
        out_type=jax.ShapeDtypeStruct((EMBED,), jnp.float32),
        mesh=mesh,
        compiler_params=pltpu.CompilerParams(needs_layout_passes=False),
        scratch_types=[
            pltpu.VMEM((LANES,), jnp.int32),
            pltpu.VMEM((BLK_ROWS, 128), jnp.int32),
            pltpu.VMEM((LANES,), jnp.int32),
            pltpu.VMEM((ROWS_PER_W, EMBED), jnp.float32),
            pltpu.VMEM((1, EMBED), jnp.float32),
            pltpu.VMEM((LANES,), jnp.int32),
            pltpu.VMEM_SHARED((1, EMBED), jnp.float32),
            pltpu.SemaphoreType.DMA,
        ],
    )
    def run(
        node_hbm, l1t_hbm, a2e_hbm, out_hbm,
        nidx_v, blk_v, ids_v, rows_v, fin_v, zidx_v, acc_s, sem,
    ):
        w = lax.axis_index("s")

        @pl.when(w == 0)
        def _():
            for g in range(GROUPS):
                fin_v[0, pl.ds(g * LANES, LANES)] = jnp.zeros(
                    (LANES,), jnp.float32
                )
            pltpu.sync_copy(fin_v, acc_s)

        rows_idx = (lax.iota(jnp.int32, LANES) & (ROWS_PER_W - 1)) + (
            (w & 1) * ROWS_PER_W
        )
        zidx_v[...] = jnp.zeros((LANES,), jnp.int32)
        pltpu.sync_copy(node_hbm, nidx_v.at[pl.ds(0, 1)])
        n = nidx_v[...][0]
        base = pl.multiple_of((n >> 7) << 7, 128)
        off = jnp.full((LANES,), n & 127, jnp.int32)
        pltpu.sync_copy(
            l1t_hbm.at[
                pl.ds((w >> 1) * BLK_ROWS, BLK_ROWS), pl.ds(base, 128)
            ],
            blk_v,
        )
        ids_v[...] = plsc.load_gather(blk_v, [rows_idx, off])
        gather = pltpu.async_copy(
            a2e_hbm.at[ids_v.at[pl.ds(0, ROWS_PER_W)]], rows_v, sem
        )
        plsc.subcore_barrier()
        gather.wait()
        pltpu.sync_copy(
            rows_v, acc_s.at[zidx_v.at[pl.ds(0, ROWS_PER_W)]], add=True
        )
        plsc.subcore_barrier()

        @pl.when(w < GROUPS)
        def _():
            pltpu.sync_copy(acc_s, fin_v)
            scale = jnp.float32(1.0 / DEGREE)
            sl = pl.ds(w * LANES, LANES)
            fin_v[0, sl] = fin_v[0, sl] * scale
            pltpu.sync_copy(fin_v.at[0].at[sl], out_hbm.at[sl])

    return run(node1, l1t, a2e)


def kernel(node, node_l1path, a2e, p2e):
    del p2e
    node1 = jnp.reshape(jnp.asarray(node, jnp.int32), (1,))
    return _sc_l1_mean(node1, node_l1path.T, a2e)

# --- scband reference (transcript-rebuilt; emitter-appended) ---
"""Pipeline reference for scband-l1neighs-aggregator-20375324852396 (READ-ONLY COPY).

The authoritative reference and input builder live on the scoring server;
editing this copy changes nothing except your own understanding.
"""

import jax, jax.numpy as jnp
import numpy as np

NUM_AUTHOR = 16604
NUM_PAPER = 12455
EMBED_DIM = 128
DEGREE = 64


def setup_inputs(seed: int = 0) -> dict:
    key = jax.random.key(seed)
    k1, k2, k3 = jax.random.split(key, 3)
    # learned embedding tables (the a2e / p2e constructor args)
    a2e = jax.random.normal(k1, (NUM_AUTHOR, EMBED_DIM), dtype=jnp.float32)
    p2e = jax.random.normal(k2, (NUM_PAPER, EMBED_DIM), dtype=jnp.float32)
    # adjacency: for each node, DEGREE level-1 neighbor ids (ap='aa' -> author ids)
    node_l1path = jax.random.randint(k3, (NUM_AUTHOR, DEGREE), 0, NUM_AUTHOR, dtype=jnp.int32)
    node = 1234  # python int, the query node id
    return {"node": node, "node_l1path": node_l1path, "a2e": a2e, "p2e": p2e}


def reference(node, node_l1path, a2e, p2e):
    # ap == 'aa': neighbors index the author table, self embedding from author table
    neighbors = node_l1path[node]                      # [DEGREE]
    # torch loop of a2e[n] + cat + reshape == a row gather
    neighs_es = jnp.take(a2e, neighbors, axis=0).astype(jnp.float32)  # [DEGREE, EMBED_DIM]
    l1_feats = jnp.mean(neighs_es, axis=0)             # [EMBED_DIM]
    return l1_feats

if __name__ == "__main__":
    import jax
    _d = setup_inputs()
    print(jax.jit(kernel)(*tuple(_d.values())))

</pallas_src>

<mosaic_0001>
#map = affine_map<(d0, d1) -> (0)>
#map1 = affine_map<(d0, d1) -> (0, 0)>
module attributes {stable_mosaic.version = 14 : i64} {
  func.func @run(%arg0: i32, %arg1: i32, %arg2: memref<1xi32, #tpu.memory_space<hbm>>, %arg3: memref<64x16604xi32, #tpu.memory_space<hbm>>, %arg4: memref<16604x128xf32, #tpu.memory_space<hbm>>, %arg5: memref<128xf32, #tpu.memory_space<hbm>>, %arg6: memref<16xi32, #tpu.memory_space<vmem>>, %arg7: memref<8x128xi32, #tpu.memory_space<vmem>>, %arg8: memref<16xi32, #tpu.memory_space<vmem>>, %arg9: memref<4x128xf32, #tpu.memory_space<vmem>>, %arg10: memref<1x128xf32, #tpu.memory_space<vmem>>, %arg11: memref<16xi32, #tpu.memory_space<vmem>>, %arg12: memref<1x128xf32, #tpu.memory_space<vmem_shared>>, %arg13: memref<!tpu.dma_semaphore, #tpu.memory_space<semaphore_mem>>) attributes {dimension_semantics = [#tpu.dimension_semantics<core_parallel>, #tpu.dimension_semantics<subcore_parallel>], iteration_bounds = array<i64: 1, 16>, scalar_prefetch = 0 : i64, scratch_operands = 8 : i64, tpu.core_type = #tpu.core_type<sc_vector_subcore>, window_params = [{transform_indices = #map}, {transform_indices = #map1}, {transform_indices = #map1}, {transform_indices = #map}]} {
    %eq3A = arith.constant 0 : i32
    %eq3A_0 = arith.cmpi eq, %arg1, %eq3A : i32
    %convert_element_type3A = arith.extui %eq3A_0 : i1 to i32
    %cond3A = arith.constant 0 : i32
    %cond3A_1 = arith.cmpi ne, %convert_element_type3A, %cond3A : i32
    scf.if %cond3A_1 {
      %broadcast_in_dim3A_35 = arith.constant 0.000000e+00 : f32
      %broadcast_in_dim3A_36 = vector.broadcast %broadcast_in_dim3A_35 : f32 to vector<16xf32>
      %swap3A_37 = arith.constant 0 : i32
      %swap3A_38 = arith.index_cast %swap3A_37 : i32 to index
      %swap3A_39 = arith.constant 0 : index
      %swap3A_40 = tpu.vector_load %arg10[%swap3A_38, %swap3A_39] {strides = array<i32>} : memref<1x128xf32, #tpu.memory_space<vmem>>, vector<16xf32>,
      tpu.vector_store %arg10[%swap3A_38, %swap3A_39], %broadcast_in_dim3A_36 {strides = array<i32>} : memref<1x128xf32, #tpu.memory_space<vmem>>, vector<16xf32>,
      %broadcast_in_dim3A_41 = arith.constant 0.000000e+00 : f32
      %broadcast_in_dim3A_42 = vector.broadcast %broadcast_in_dim3A_41 : f32 to vector<16xf32>
      %swap3A_43 = arith.constant 0 : i32
      %swap3A_44 = arith.index_cast %swap3A_43 : i32 to index
      %swap3A_45 = arith.constant 16 : index
      %swap3A_46 = tpu.vector_load %arg10[%swap3A_44, %swap3A_45] {strides = array<i32>} : memref<1x128xf32, #tpu.memory_space<vmem>>, vector<16xf32>,
      tpu.vector_store %arg10[%swap3A_44, %swap3A_45], %broadcast_in_dim3A_42 {strides = array<i32>} : memref<1x128xf32, #tpu.memory_space<vmem>>, vector<16xf32>,
      %broadcast_in_dim3A_47 = arith.constant 0.000000e+00 : f32
      %broadcast_in_dim3A_48 = vector.broadcast %broadcast_in_dim3A_47 : f32 to vector<16xf32>
      %swap3A_49 = arith.constant 0 : i32
      %swap3A_50 = arith.index_cast %swap3A_49 : i32 to index
      %swap3A_51 = arith.constant 32 : index
      %swap3A_52 = tpu.vector_load %arg10[%swap3A_50, %swap3A_51] {strides = array<i32>} : memref<1x128xf32, #tpu.memory_space<vmem>>, vector<16xf32>,
      tpu.vector_store %arg10[%swap3A_50, %swap3A_51], %broadcast_in_dim3A_48 {strides = array<i32>} : memref<1x128xf32, #tpu.memory_space<vmem>>, vector<16xf32>,
      %broadcast_in_dim3A_53 = arith.constant 0.000000e+00 : f32
      %broadcast_in_dim3A_54 = vector.broadcast %broadcast_in_dim3A_53 : f32 to vector<16xf32>
      %swap3A_55 = arith.constant 0 : i32
      %swap3A_56 = arith.index_cast %swap3A_55 : i32 to index
      %swap3A_57 = arith.constant 48 : index
      %swap3A_58 = tpu.vector_load %arg10[%swap3A_56, %swap3A_57] {strides = array<i32>} : memref<1x128xf32, #tpu.memory_space<vmem>>, vector<16xf32>,
      tpu.vector_store %arg10[%swap3A_56, %swap3A_57], %broadcast_in_dim3A_54 {strides = array<i32>} : memref<1x128xf32, #tpu.memory_space<vmem>>, vector<16xf32>,
      %broadcast_in_dim3A_59 = arith.constant 0.000000e+00 : f32
      %broadcast_in_dim3A_60 = vector.broadcast %broadcast_in_dim3A_59 : f32 to vector<16xf32>
      %swap3A_61 = arith.constant 0 : i32
      %swap3A_62 = arith.index_cast %swap3A_61 : i32 to index
      %swap3A_63 = arith.constant 64 : index
      %swap3A_64 = tpu.vector_load %arg10[%swap3A_62, %swap3A_63] {strides = array<i32>} : memref<1x128xf32, #tpu.memory_space<vmem>>, vector<16xf32>,
      tpu.vector_store %arg10[%swap3A_62, %swap3A_63], %broadcast_in_dim3A_60 {strides = array<i32>} : memref<1x128xf32, #tpu.memory_space<vmem>>, vector<16xf32>,
      %broadcast_in_dim3A_65 = arith.constant 0.000000e+00 : f32
      %broadcast_in_dim3A_66 = vector.broadcast %broadcast_in_dim3A_65 : f32 to vector<16xf32>
      %swap3A_67 = arith.constant 0 : i32
      %swap3A_68 = arith.index_cast %swap3A_67 : i32 to index
      %swap3A_69 = arith.constant 80 : index
      %swap3A_70 = tpu.vector_load %arg10[%swap3A_68, %swap3A_69] {strides = array<i32>} : memref<1x128xf32, #tpu.memory_space<vmem>>, vector<16xf32>,
      tpu.vector_store %arg10[%swap3A_68, %swap3A_69], %broadcast_in_dim3A_66 {strides = array<i32>} : memref<1x128xf32, #tpu.memory_space<vmem>>, vector<16xf32>,
      %broadcast_in_dim3A_71 = arith.constant 0.000000e+00 : f32
      %broadcast_in_dim3A_72 = vector.broadcast %broadcast_in_dim3A_71 : f32 to vector<16xf32>
      %swap3A_73 = arith.constant 0 : i32
      %swap3A_74 = arith.index_cast %swap3A_73 : i32 to index
      %swap3A_75 = arith.constant 96 : index
      %swap3A_76 = tpu.vector_load %arg10[%swap3A_74, %swap3A_75] {strides = array<i32>} : memref<1x128xf32, #tpu.memory_space<vmem>>, vector<16xf32>,
      tpu.vector_store %arg10[%swap3A_74, %swap3A_75], %broadcast_in_dim3A_72 {strides = array<i32>} : memref<1x128xf32, #tpu.memory_space<vmem>>, vector<16xf32>,
      %broadcast_in_dim3A_77 = arith.constant 0.000000e+00 : f32
      %broadcast_in_dim3A_78 = vector.broadcast %broadcast_in_dim3A_77 : f32 to vector<16xf32>
      %swap3A_79 = arith.constant 0 : i32
      %swap3A_80 = arith.index_cast %swap3A_79 : i32 to index
      %swap3A_81 = arith.constant 112 : index
      %swap3A_82 = tpu.vector_load %arg10[%swap3A_80, %swap3A_81] {strides = array<i32>} : memref<1x128xf32, #tpu.memory_space<vmem>>, vector<16xf32>,
      tpu.vector_store %arg10[%swap3A_80, %swap3A_81], %broadcast_in_dim3A_78 {strides = array<i32>} : memref<1x128xf32, #tpu.memory_space<vmem>>, vector<16xf32>,
      "tpu.region"() ({
        %run_scoped3A = tpu.sem_alloc : memref<!tpu.dma_semaphore, #tpu.memory_space<semaphore_mem>>
        tpu.enqueue_dma source(%arg10 : memref<1x128xf32, #tpu.memory_space<vmem>>) target(%arg12 : memref<1x128xf32, #tpu.memory_space<vmem_shared>>) target_semaphore(%run_scoped3A : memref<!tpu.dma_semaphore, #tpu.memory_space<semaphore_mem>>)
        tpu.wait_dma2 semaphore(%run_scoped3A : memref<!tpu.dma_semaphore, #tpu.memory_space<semaphore_mem>>) src(%arg10 : memref<1x128xf32, #tpu.memory_space<vmem>>) dst(%arg12 : memref<1x128xf32, #tpu.memory_space<vmem_shared>>)
        tpu.yield
      }) : () -> ()
    } else {
    }
    %iota3A = tpu.iota {dimensions = array<i32: 0>} : vector<16xi32>
    %and3A = arith.constant 3 : i32
    %and3A_2 = vector.broadcast %and3A : i32 to vector<16xi32>
    %and3A_3 = arith.andi %iota3A, %and3A_2 : vector<16xi32>
    %and3A_4 = arith.constant 1 : i32
    %and3A_5 = arith.andi %arg1, %and3A_4 : i32
    %mul3A = arith.constant 4 : i32
    %mul3A_6 = arith.muli %and3A_5, %mul3A : i32
    %add3A = vector.broadcast %mul3A_6 : i32 to vector<16xi32>
    %add3A_7 = arith.addi %and3A_3, %add3A : vector<16xi32>
    %broadcast_in_dim3A = arith.constant 0 : i32
    %broadcast_in_dim3A_8 = vector.broadcast %broadcast_in_dim3A : i32 to vector<16xi32>
    %swap3A = arith.constant 0 : index
    %swap3A_9 = tpu.vector_load %arg11[%swap3A] {strides = array<i32>} : memref<16xi32, #tpu.memory_space<vmem>>, vector<16xi32>,
    tpu.vector_store %arg11[%swap3A], %broadcast_in_dim3A_8 {strides = array<i32>} : memref<16xi32, #tpu.memory_space<vmem>>, vector<16xi32>,
    "tpu.region"() ({
      %run_scoped3A = tpu.sem_alloc : memref<!tpu.dma_semaphore, #tpu.memory_space<semaphore_mem>>
      %dma_start3A_35 = arith.constant 0 : i32
      %dma_start3A_36 = tpu.memref_slice %arg6[%dma_start3A_35] : memref<16xi32, #tpu.memory_space<vmem>> -> memref<1xi32, #tpu.memory_space<vmem>>
      %dma_start3A_37 = arith.constant 0 : i32
      %dma_start3A_38 = tpu.memref_slice %arg6[%dma_start3A_37] : memref<16xi32, #tpu.memory_space<vmem>> -> memref<1xi32, #tpu.memory_space<vmem>>
      tpu.enqueue_dma source(%arg2 : memref<1xi32, #tpu.memory_space<hbm>>) target(%dma_start3A_38 : memref<1xi32, #tpu.memory_space<vmem>>) target_semaphore(%run_scoped3A : memref<!tpu.dma_semaphore, #tpu.memory_space<semaphore_mem>>)
      %dma_wait3A_39 = arith.constant 0 : i32
      %dma_wait3A_40 = tpu.memref_slice %arg6[%dma_wait3A_39] : memref<16xi32, #tpu.memory_space<vmem>> -> memref<1xi32, #tpu.memory_space<vmem>>
      %dma_wait3A_41 = arith.constant 0 : i32
      %dma_wait3A_42 = tpu.memref_slice %arg6[%dma_wait3A_41] : memref<16xi32, #tpu.memory_space<vmem>> -> memref<1xi32, #tpu.memory_space<vmem>>
      tpu.wait_dma2 semaphore(%run_scoped3A : memref<!tpu.dma_semaphore, #tpu.memory_space<semaphore_mem>>) src(%arg2 : memref<1xi32, #tpu.memory_space<hbm>>) dst(%dma_wait3A_42 : memref<1xi32, #tpu.memory_space<vmem>>)
      tpu.yield
    }) : () -> ()
    %get3A = arith.constant 0 : index
    %get3A_10 = tpu.vector_load %arg6[%get3A] {strides = array<i32>} : memref<16xi32, #tpu.memory_space<vmem>>, vector<16xi32>,
    %slice3A = vector.extract_strided_slice %get3A_10 {offsets = [0], sizes = [1], strides = [1]} : vector<16xi32> to vector<1xi32>
    %squeeze3A = vector.extract %slice3A[0] : i32 from vector<1xi32>
    %shift_right_arithmetic3A = arith.constant 7 : i32
    %shift_right_arithmetic3A_11 = arith.shrsi %squeeze3A, %shift_right_arithmetic3A : i32
    %shift_left3A = arith.constant 7 : i32
    %shift_left3A_12 = arith.shli %shift_right_arithmetic3A_11, %shift_left3A : i32
    %multiple_of3A = tpu.assume_multiple %shift_left3A_12, 128 : i32
    %and3A_13 = arith.constant 127 : i32
    %and3A_14 = arith.andi %squeeze3A, %and3A_13 : i32
    %broadcast_in_dim3A_15 = vector.broadcast %and3A_14 : i32 to vector<16xi32>
    %shift_right_arithmetic3A_16 = arith.constant 1 : i32
    %shift_right_arithmetic3A_17 = arith.shrsi %arg1, %shift_right_arithmetic3A_16 : i32
    %mul3A_18 = arith.constant 8 : i32
    %mul3A_19 = arith.muli %shift_right_arithmetic3A_17, %mul3A_18 : i32
    "tpu.region"() ({
      %run_scoped3A = tpu.sem_alloc : memref<!tpu.dma_semaphore, #tpu.memory_space<semaphore_mem>>
      %dma_start3A_35 = tpu.memref_slice %arg3[%mul3A_19, %multiple_of3A] : memref<64x16604xi32, #tpu.memory_space<hbm>> -> memref<8x128xi32, #tpu.memory_space<hbm>>
      %dma_start3A_36 = tpu.memref_slice %arg3[%mul3A_19, %multiple_of3A] : memref<64x16604xi32, #tpu.memory_space<hbm>> -> memref<8x128xi32, #tpu.memory_space<hbm>>
      tpu.enqueue_dma source(%dma_start3A_36 : memref<8x128xi32, #tpu.memory_space<hbm>>) target(%arg7 : memref<8x128xi32, #tpu.memory_space<vmem>>) target_semaphore(%run_scoped3A : memref<!tpu.dma_semaphore, #tpu.memory_space<semaphore_mem>>)
      %dma_wait3A_37 = tpu.memref_slice %arg3[%mul3A_19, %multiple_of3A] : memref<64x16604xi32, #tpu.memory_space<hbm>> -> memref<8x128xi32, #tpu.memory_space<hbm>>
      %dma_wait3A_38 = tpu.memref_slice %arg3[%mul3A_19, %multiple_of3A] : memref<64x16604xi32, #tpu.memory_space<hbm>> -> memref<8x128xi32, #tpu.memory_space<hbm>>
      tpu.wait_dma2 semaphore(%run_scoped3A : memref<!tpu.dma_semaphore, #tpu.memory_space<semaphore_mem>>) src(%dma_wait3A_38 : memref<8x128xi32, #tpu.memory_space<hbm>>) dst(%arg7 : memref<8x128xi32, #tpu.memory_space<vmem>>)
      tpu.yield
    }) : () -> ()
    %gather3A = tpu.vector_load_idx %arg7[%add3A_7, %broadcast_in_dim3A_15] : memref<8x128xi32, #tpu.memory_space<vmem>>[vector<16xi32>, vector<16xi32>], vector<16xi32>,
    %swap3A_20 = arith.constant 0 : index
    %swap3A_21 = tpu.vector_load %arg8[%swap3A_20] {strides = array<i32>} : memref<16xi32, #tpu.memory_space<vmem>>, vector<16xi32>,
    tpu.vector_store %arg8[%swap3A_20], %gather3A {strides = array<i32>} : memref<16xi32, #tpu.memory_space<vmem>>, vector<16xi32>,
    %dma_start3A = arith.constant 0 : i32
    %dma_start3A_22 = tpu.memref_slice %arg8[%dma_start3A] : memref<16xi32, #tpu.memory_space<vmem>> -> memref<4xi32, #tpu.memory_space<vmem>>
    %dma_start3A_23 = arith.constant 0 : i32
    %dma_start3A_24 = arith.constant 0 : i32
    %dma_start3A_25 = tpu.memref_slice %arg4[%dma_start3A_23, %dma_start3A_24] : memref<16604x128xf32, #tpu.memory_space<hbm>> -> memref<16604x128xf32, #tpu.memory_space<hbm>>
    tpu.enqueue_indirect_dma source(%dma_start3A_25 : memref<16604x128xf32, #tpu.memory_space<hbm>>) target(%arg9 : memref<4x128xf32, #tpu.memory_space<vmem>>) offsets(%dma_start3A_22 : memref<4xi32, #tpu.memory_space<vmem>>) semaphore(%arg13 : memref<!tpu.dma_semaphore, #tpu.memory_space<semaphore_mem>>)
    %barrier3A = arith.constant 0 : index
    tpu.barrier barrier_id(%barrier3A)
    %dma_wait3A = arith.constant 0 : i32
    %dma_wait3A_26 = tpu.memref_slice %arg8[%dma_wait3A] : memref<16xi32, #tpu.memory_space<vmem>> -> memref<4xi32, #tpu.memory_space<vmem>>
    %dma_wait3A_27 = arith.constant 0 : i32
    %dma_wait3A_28 = arith.constant 0 : i32
    %dma_wait3A_29 = tpu.memref_slice %arg4[%dma_wait3A_27, %dma_wait3A_28] : memref<16604x128xf32, #tpu.memory_space<hbm>> -> memref<16604x128xf32, #tpu.memory_space<hbm>>
    tpu.wait_indirect_dma semaphore(%arg13 : memref<!tpu.dma_semaphore, #tpu.memory_space<semaphore_mem>>) src(%dma_wait3A_29 : memref<16604x128xf32, #tpu.memory_space<hbm>>) dst(%arg9 : memref<4x128xf32, #tpu.memory_space<vmem>>)
    "tpu.region"() ({
      %run_scoped3A = tpu.sem_alloc : memref<!tpu.dma_semaphore, #tpu.memory_space<semaphore_mem>>
      %dma_start3A_35 = arith.constant 0 : i32
      %dma_start3A_36 = tpu.memref_slice %arg11[%dma_start3A_35] : memref<16xi32, #tpu.memory_space<vmem>> -> memref<4xi32, #tpu.memory_space<vmem>>
      %dma_start3A_37 = arith.constant 0 : i32
      %dma_start3A_38 = arith.constant 0 : i32
      %dma_start3A_39 = tpu.memref_slice %arg12[%dma_start3A_37, %dma_start3A_38] : memref<1x128xf32, #tpu.memory_space<vmem_shared>> -> memref<1x128xf32, #tpu.memory_space<vmem_shared>>
      tpu.enqueue_indirect_dma source(%arg9 : memref<4x128xf32, #tpu.memory_space<vmem>>) target(%dma_start3A_39 : memref<1x128xf32, #tpu.memory_space<vmem_shared>>) offsets(%dma_start3A_36 : memref<4xi32, #tpu.memory_space<vmem>>) semaphore(%run_scoped3A : memref<!tpu.dma_semaphore, #tpu.memory_space<semaphore_mem>>) {add = true}
      %dma_wait3A_40 = arith.constant 0 : i32
      %dma_wait3A_41 = tpu.memref_slice %arg11[%dma_wait3A_40] : memref<16xi32, #tpu.memory_space<vmem>> -> memref<4xi32, #tpu.memory_space<vmem>>
      %dma_wait3A_42 = arith.constant 0 : i32
      %dma_wait3A_43 = arith.constant 0 : i32
      %dma_wait3A_44 = tpu.memref_slice %arg12[%dma_wait3A_42, %dma_wait3A_43] : memref<1x128xf32, #tpu.memory_space<vmem_shared>> -> memref<1x128xf32, #tpu.memory_space<vmem_shared>>
      tpu.wait_indirect_dma semaphore(%run_scoped3A : memref<!tpu.dma_semaphore, #tpu.memory_space<semaphore_mem>>) src(%arg9 : memref<4x128xf32, #tpu.memory_space<vmem>>) dst(%dma_wait3A_44 : memref<1x128xf32, #tpu.memory_space<vmem_shared>>)
      tpu.yield
    }) : () -> ()
    %barrier3A_30 = arith.constant 0 : index
    tpu.barrier barrier_id(%barrier3A_30)
    %lt3A = arith.constant 8 : i32
    %lt3A_31 = arith.cmpi slt, %arg1, %lt3A : i32
    %convert_element_type3A_32 = arith.extui %lt3A_31 : i1 to i32
    %cond3A_33 = arith.constant 0 : i32
    %cond3A_34 = arith.cmpi ne, %convert_element_type3A_32, %cond3A_33 : i32
    scf.if %cond3A_34 {
      "tpu.region"() ({
        %run_scoped3A_48 = tpu.sem_alloc : memref<!tpu.dma_semaphore, #tpu.memory_space<semaphore_mem>>
        tpu.enqueue_dma source(%arg12 : memref<1x128xf32, #tpu.memory_space<vmem_shared>>) target(%arg10 : memref<1x128xf32, #tpu.memory_space<vmem>>) target_semaphore(%run_scoped3A_48 : memref<!tpu.dma_semaphore, #tpu.memory_space<semaphore_mem>>)
        tpu.wait_dma2 semaphore(%run_scoped3A_48 : memref<!tpu.dma_semaphore, #tpu.memory_space<semaphore_mem>>) src(%arg12 : memref<1x128xf32, #tpu.memory_space<vmem_shared>>) dst(%arg10 : memref<1x128xf32, #tpu.memory_space<vmem>>)
        tpu.yield
      }) : () -> ()
      %mul3A_35 = arith.constant 16 : i32
      %mul3A_36 = arith.muli %arg1, %mul3A_35 : i32
      %get3A_37 = arith.constant 0 : i32
      %get3A_38 = arith.index_cast %get3A_37 : i32 to index
      %get3A_39 = arith.index_cast %mul3A_36 : i32 to index
      %get3A_40 = tpu.vector_load %arg10[%get3A_38, %get3A_39] {strides = array<i32>} : memref<1x128xf32, #tpu.memory_space<vmem>>, vector<16xf32>,
      %mul3A_41 = arith.constant 1.562500e-02 : f32
      %mul3A_42 = vector.broadcast %mul3A_41 : f32 to vector<16xf32>
      %mul3A_43 = arith.mulf %get3A_40, %mul3A_42 : vector<16xf32>
      %swap3A_44 = arith.constant 0 : i32
      %swap3A_45 = arith.index_cast %swap3A_44 : i32 to index
      %swap3A_46 = arith.index_cast %mul3A_36 : i32 to index
      %swap3A_47 = tpu.vector_load %arg10[%swap3A_45, %swap3A_46] {strides = array<i32>} : memref<1x128xf32, #tpu.memory_space<vmem>>, vector<16xf32>,
      tpu.vector_store %arg10[%swap3A_45, %swap3A_46], %mul3A_43 {strides = array<i32>} : memref<1x128xf32, #tpu.memory_space<vmem>>, vector<16xf32>,
      %run_scoped3A = arith.constant 0 : i32
      "tpu.region"() ({
        %run_scoped3A_48 = tpu.sem_alloc : memref<!tpu.dma_semaphore, #tpu.memory_space<semaphore_mem>>
        %dma_start3A_49 = arith.constant 0 : i32
        %dma_start3A_50 = tpu.memref_slice %arg10[%run_scoped3A, %dma_start3A_49] : memref<1x128xf32, #tpu.memory_space<vmem>> -> memref<1x128xf32, #tpu.memory_space<vmem>>
        %dma_start3A_51 = tpu.memref_squeeze %dma_start3A_50 : memref<1x128xf32, #tpu.memory_space<vmem>> -> memref<128xf32, #tpu.memory_space<vmem>>
        %dma_start3A_52 = tpu.memref_slice %dma_start3A_51[%mul3A_36] : memref<128xf32, #tpu.memory_space<vmem>> -> memref<16xf32, #tpu.memory_space<vmem>>
        %dma_start3A_53 = tpu.memref_slice %arg5[%mul3A_36] : memref<128xf32, #tpu.memory_space<hbm>> -> memref<16xf32, #tpu.memory_space<hbm>>
        %dma_start3A_54 = tpu.memref_slice %arg5[%mul3A_36] : memref<128xf32, #tpu.memory_space<hbm>> -> memref<16xf32, #tpu.memory_space<hbm>>
        %dma_start3A_55 = arith.constant 0 : i32
        %dma_start3A_56 = tpu.memref_slice %arg10[%run_scoped3A, %dma_start3A_55] : memref<1x128xf32, #tpu.memory_space<vmem>> -> memref<1x128xf32, #tpu.memory_space<vmem>>
        %dma_start3A_57 = tpu.memref_squeeze %dma_start3A_56 : memref<1x128xf32, #tpu.memory_space<vmem>> -> memref<128xf32, #tpu.memory_space<vmem>>
        %dma_start3A_58 = tpu.memref_slice %dma_start3A_57[%mul3A_36] : memref<128xf32, #tpu.memory_space<vmem>> -> memref<16xf32, #tpu.memory_space<vmem>>
        tpu.enqueue_dma source(%dma_start3A_58 : memref<16xf32, #tpu.memory_space<vmem>>) target(%dma_start3A_54 : memref<16xf32, #tpu.memory_space<hbm>>) target_semaphore(%run_scoped3A_48 : memref<!tpu.dma_semaphore, #tpu.memory_space<semaphore_mem>>)
        %dma_wait3A_59 = arith.constant 0 : i32
        %dma_wait3A_60 = tpu.memref_slice %arg10[%run_scoped3A, %dma_wait3A_59] : memref<1x128xf32, #tpu.memory_space<vmem>> -> memref<1x128xf32, #tpu.memory_space<vmem>>
        %dma_wait3A_61 = tpu.memref_squeeze %dma_wait3A_60 : memref<1x128xf32, #tpu.memory_space<vmem>> -> memref<128xf32, #tpu.memory_space<vmem>>
        %dma_wait3A_62 = tpu.memref_slice %dma_wait3A_61[%mul3A_36] : memref<128xf32, #tpu.memory_space<vmem>> -> memref<16xf32, #tpu.memory_space<vmem>>
        %dma_wait3A_63 = tpu.memref_slice %arg5[%mul3A_36] : memref<128xf32, #tpu.memory_space<hbm>> -> memref<16xf32, #tpu.memory_space<hbm>>
        %dma_wait3A_64 = tpu.memref_slice %arg5[%mul3A_36] : memref<128xf32, #tpu.memory_space<hbm>> -> memref<16xf32, #tpu.memory_space<hbm>>
        %dma_wait3A_65 = arith.constant 0 : i32
        %dma_wait3A_66 = tpu.memref_slice %arg10[%run_scoped3A, %dma_wait3A_65] : memref<1x128xf32, #tpu.memory_space<vmem>> -> memref<1x128xf32, #tpu.memory_space<vmem>>
        %dma_wait3A_67 = tpu.memref_squeeze %dma_wait3A_66 : memref<1x128xf32, #tpu.memory_space<vmem>> -> memref<128xf32, #tpu.memory_space<vmem>>
        %dma_wait3A_68 = tpu.memref_slice %dma_wait3A_67[%mul3A_36] : memref<128xf32, #tpu.memory_space<vmem>> -> memref<16xf32, #tpu.memory_space<vmem>>
        tpu.wait_dma2 semaphore(%run_scoped3A_48 : memref<!tpu.dma_semaphore, #tpu.memory_space<semaphore_mem>>) src(%dma_wait3A_68 : memref<16xf32, #tpu.memory_space<vmem>>) dst(%dma_wait3A_64 : memref<16xf32, #tpu.memory_space<hbm>>)
        tpu.yield
      }) : () -> ()
    } else {
    }
    return
  }
}

</mosaic_0001>

<sc_bundles>
// kernel: kernel.3.cloned.1.call-start
scs
__scs_entry_jumppad:
0x0: {  	(pc) =	sbr.rel $0x88, $3  }
0x1: {  	(tag) =	ssettag $0x0;
	lr =	simm.s32 $0x1  }
0x2: {  	[smem:$0x3F9E] =	sst lr;
	_ =	strace $0xD0000000  }
0x3: {  	_ = 	snop  }
0x4: {  	_ = 	snop  }
0x5: {  	_ = 	snop  }
0x6: {  	_ = 	snop  }
0x7: {  	_ = 	snop  }
__scs_overlays_trampoline_lowered:
0x8: {  	[smem:$0x3FAD] =	sst s0  }
0x9: {  	[smem:$0x3FAE] =	sst s1  }
0xa: {  	[smem:$0x3FAF] =	sst s2  }
0xb: {  	[smem:$0x3FB0] =	sst s3  }
0xc: {  	[smem:$0x3FB1] =	sst s4  }
0xd: {  	[smem:$0x3FB2] =	sst s5  }
0xe: {  	[smem:$0x3FB3] =	sst s6  }
0xf: {  	[smem:$0x3FB4] =	sst s7  }
0x10: {  	[smem:$0x3FB5] =	sst s8  }
0x11: {  	[smem:$0x3FB6] =	sst s9;
	s0 =	simm.s32 @!p0 $0x0  }
0x12: {  	s1 =	sld [smem:$0x3F9C];
	s0 =	simm.s32 @p0 $0x1  }
0x13: {  	[smem:$0x3FB7] =	sst s0;
	s0 =	simm.s32 @!p1 $0x0  }
0x14: {  	s2 =	sld [smem:$0x3F9B];
	s0 =	simm.s32 @p1 $0x1  }
0x15: {  	[smem:$0x3FB8] =	sst s0;
	s0 =	simm.s32 @!p2 $0x0  }
0x16: {  	s3 =	sld [smem:$0x3FDB];
	s0 =	simm.s32 @p2 $0x1  }
0x17: {  	s4 =	simm.s32 $0x1BF5;
	[smem:$0x3FBA] =	sst s0  }
0x18: {  	s0 =	sld [smem:$0x3F9D];
	_ =	swait.ge [sflag:s4], $0x0  }
0x19: {  	s7 =	sld [smem:$0x3F9E]  }
0x1a: {  	s8 =	sadd.s32 $0xFFFFE003, lr  }
0x1b: {  	s9 =	sadd.s32 $0xFFFFFEF7, lr;
	s5 =	simm.s32 $0xFFFFFFFF;
	p2 =	slt.u32 s8, $0xFFFFF086  }
0x1c: {  	p1 =	slt.u32 s9, $0xF7A;
	s5 =	simm.s32 @!p2 $0x0  }
0x1d: {  	s5 =	simm.s32 @p1 $0x1;
	p0 =	seq.s32 s7, s2  }
0x1e: {  	s7 =	smul.u32 @!p0 $0xF7A, s2;
	p2 =	seq.s32 @!p0 s5, $0x0  }
0x1f: {  	s9 =	smul.u32 $0xF7A, s1;
	s8 =	simm.s32 @!p0 $0x1BF5;
	p2 =	por !p2, p0  }
0x20: {  	[sflag:s8] =	ssyncset.s32 @!p0 $0xFFFFF086;
	s6 =	sadd.s32 @!p0 s3, s7;
	s7 =	simm.s32 @!p0 $0x108  }
0x21: {  	s3 =	sadd.s32 s3, s9;
	s6 =	sadd.s32 @!p0 $0x88, s6;
	s7 =	simm.s32 @p2 $0x1082  }
0x22: {  	[simem:s7], [sflag:s8] =	dma.local @!p0 [hbm:s6], $0xF7A  }
0x23: {  	s9 =	sor.u32 $0xD0000000, s2;
	s6 =	simm.s32 $0x108;
	_ =	swait.ge @!p0 [sflag:s8], $0x0  }
0x24: {  	s3 =	sadd.s32 $0x88, s3;
	s6 =	simm.s32 @!p1 $0x1082;
	[sflag:s4] =	ssyncset.s32 $0xFFFFF086  }
0x25: {  	[simem:s6], [sflag:s4] =	dma.local [hbm:s3], $0xF7A  }
0x26: {  	[smem:$0x3F9E] =	sst s1;
	(tag) =	ssettag s2;
	_ =	strace s9  }
0x27: {  	s1 =	sld [smem:$0x3FAE]  }
0x28: {  	s2 =	sld [smem:$0x3FAF]  }
0x29: {  	s4 =	sld [smem:$0x3FB1]  }
0x2a: {  	p0 =	seq.s32 s5, $0x0;
	s5 =	sld [smem:$0x3FB2]  }
0x2b: {  	s6 =	sld [smem:$0x3FB3]  }
0x2c: {  	s7 =	sld [smem:$0x3FB4]  }
0x2d: {  	s3 =	simm.s32 $0x108;
	s8 =	sld [smem:$0x3FB5]  }
0x2e: {  	s3 =	simm.s32 @!p0 $0x1082;
	s9 =	sld [smem:$0x3FB6]  }
0x2f: {  	lr =	sadd.s32 s0, s3;
	s0 =	sld [smem:$0x3FAD]  }
0x30: {  	s3 =	sld [smem:$0x3FB0]  }
0x31: {  	[smem:$0x3FB9] =	sst s10  }
0x32: {  	s10 =	sld [smem:$0x3FB7];
	_ =	sdelay $0x3  }
0x33: {  	p0 =	seq.s32 s10, $0x1;
	s10 =	sld [smem:$0x3FB9];
	_ =	sdelay $0x3  }
0x34: {  	[smem:$0x3FB9] =	sst s10  }
0x35: {  	s10 =	sld [smem:$0x3FB8];
	_ =	sdelay $0x3  }
0x36: {  	p1 =	seq.s32 s10, $0x1;
	s10 =	sld [smem:$0x3FB9];
	_ =	sdelay $0x3  }
0x37: {  	[smem:$0x3FB9] =	sst s10  }
0x38: {  	s10 =	sld [smem:$0x3FBA]  }
0x39: {  	_ = 	snop;
	(pc) =	sbr.ind lr, $3  }
0x3a: {  	_ = 	snop  }
0x3b: {  	_ = 	snop  }
0x3c: {  	p2 =	seq.s32 s10, $0x1;
	s10 =	sld [smem:$0x3FB9]  }
0x3d: {  	_ =	shalt  }
0x3e: {  	_ =	shalt  }
0x3f: {  	_ =	shalt  }
0x40: {  	_ =	shalt  }
0x41: {  	_ =	shalt  }
0x42: {  	_ =	shalt  }
0x43: {  	_ =	shalt  }
0x44: {  	_ =	shalt  }
0x45: {  	_ =	shalt  }
0x46: {  	_ =	shalt  }
0x47: {  	_ =	shalt  }
0x48: {  	_ =	shalt  }
0x49: {  	_ =	shalt  }
0x4a: {  	_ =	shalt  }
0x4b: {  	_ =	shalt  }
0x4c: {  	_ =	shalt  }
0x4d: {  	_ =	shalt  }
0x4e: {  	_ =	shalt  }
0x4f: {  	_ =	shalt  }
0x50: {  	_ =	shalt  }
0x51: {  	_ =	shalt  }
0x52: {  	_ =	shalt  }
0x53: {  	_ =	shalt  }
0x54: {  	_ =	shalt  }
0x55: {  	_ =	shalt  }
0x56: {  	_ =	shalt  }
0x57: {  	_ =	shalt  }
0x58: {  	_ =	shalt  }
0x59: {  	_ =	shalt  }
0x5a: {  	_ =	shalt  }
0x5b: {  	_ =	shalt  }
0x5c: {  	_ =	shalt  }
0x5d: {  	_ =	shalt  }
0x5e: {  	_ =	shalt  }
0x5f: {  	_ =	shalt  }
0x60: {  	_ =	shalt  }
0x61: {  	_ =	shalt  }
0x62: {  	_ =	shalt  }
0x63: {  	_ =	shalt  }
0x64: {  	_ =	shalt  }
0x65: {  	_ =	shalt  }
0x66: {  	_ =	shalt  }
0x67: {  	_ =	shalt  }
0x68: {  	_ =	shalt  }
0x69: {  	_ =	shalt  }
0x6a: {  	_ =	shalt  }
0x6b: {  	_ =	shalt  }
0x6c: {  	_ =	shalt  }
0x6d: {  	_ =	shalt  }
0x6e: {  	_ =	shalt  }
0x6f: {  	_ =	shalt  }
0x70: {  	_ =	shalt  }
0x71: {  	_ =	shalt  }
0x72: {  	_ =	shalt  }
0x73: {  	_ =	shalt  }
0x74: {  	_ =	shalt  }
0x75: {  	_ =	shalt  }
0x76: {  	_ =	shalt  }
0x77: {  	_ =	shalt  }
0x78: {  	_ =	shalt  }
0x79: {  	_ =	shalt  }
0x7a: {  	_ =	shalt  }
0x7b: {  	_ =	shalt  }
0x7c: {  	_ =	shalt  }
0x7d: {  	_ =	shalt  }
0x7e: {  	_ =	shalt  }
0x7f: {  	_ =	shalt  }
0x80: {  	_ =	shalt  }
0x81: {  	_ =	shalt  }
0x82: {  	_ =	shalt  }
0x83: {  	_ =	shalt  }
0x84: {  	_ =	shalt  }
0x85: {  	_ =	shalt  }
0x86: {  	_ =	shalt  }
0x87: {  	_ =	shalt  }
.Lfunc_end0:
.L_simem_size_0:
called_computation_lowered:
.L_overlay_start_0:
0x88: {  	s0 =	sld [smem:$0x3FD9]  }
0x89: {  	s1 =	sld [smem:$0x3FFE];
	_ =	sdelay $0x3  }
0x8a: {  	s0 =	sadd.s32 s1, s0  }
0x8b: {  	[smem:$0x3FC5] =	sst s0  }
0x8c: {  	_ = 	snop  }
0x8d: {  	s0 =	sld [smem:$0x3FC9]  }
0x8e: {  	s17 =	sld [smem:$0x3FC8]  }
0x8f: {  	s2 =	sld [smem:$0x3FC7]  }
0x90: {  	s3 =	sld [smem:$0x3FD0];
	(tm) =	ssettm $0x1  }
0x91: {  	s4 =	sld [smem:$0x3FFB];
	_ =	sdelay $0x3  }
0x92: {  	_ =	strace s4  }
0x93: {  	s4 =	sld [smem:$0x3FFC];
	_ =	sdelay $0x3  }
0x94: {  	_ =	strace s4  }
0x95: {  	s4 =	sld [smem:$0x3FFD];
	_ =	sdelay $0x3  }
0x96: {  	_ =	strace s4  }
0x97: {  	_ =	strace $0x8FFFFFFF  }
0x98: {  	s18 =	sld [smem:$0x3FDB];
	_ =	sdelay $0x1  }
0x99: {  	s5 =	simm.s32 $_scs_section_size  }
0x9a: {  	s6 =	simm.s32 $_size__tile_overlayer_lowered;
	s7 =	simm.s32 $_tile_overlayer_lowered  }
0x9b: {  	s21 =	simm.s32 $0x1BFF;
	s20 =	sshll.u32 s7, $0x1;
	s4 =	sadd.s32 s5, s18  }
0x9c: {  	s8 =	simm.s32 $0x0;
	s19 =	sshll.u32 s6, $0x1;
	s6 =	sadd.s32 s20, s4  }
0x9d: {  	[timem:s8], [sflag:s21] =	dma.local [hbm:s6], s19  }
0x9e: {  	_ =	swait.ge [sflag:s21], s19  }
0x9f: {  	s5 =	ssub.s32 $0x0, s19;
	[sflag:s21] =	ssyncset.done $0x0  }
0xa0: {  	[sflag:s21] =	ssyncadd.s32 s5;
	_ =	sdelay $0x1  }
0xa1: {  	s22 =	simm.s32 $0x1B8B  }
0xa2: {  	_ =	swait.ge [sflag:s22], $0x1  }
0xa3: {  	[sflag:s22] =	ssyncset.done $0x0  }
0xa4: {  	s23 =	simm.s32 $0x1B8E;
	[sflag:s22] =	ssyncadd.s32 $0xFFFFFFFF  }
0xa5: {  	s24 =	simm.s32 $execute0_lowered;
	[smem:$0x3FD2] =	sst s23  }
0xa6: {  	s5 =	sshll.u32 s24, $0x1;
	_ =	strace $0x80000046;
	[dreg:$0x1] =	wrdreg $0xFFFFFFFF  }
0xa7: {  	s25 =	simm.s32 $_size_execute0_lowered;
	s4 =	sadd.s32 s4, s5;
	[dreg:$0x0] =	wrdreg $0x0  }
0xa8: {  	s5 =	sshll.u32 s25, $0x1;
	[dreg:$0x2] =	wrdreg s4  }
0xa9: {  	[dreg:$0x3] =	wrdreg s5  }
0xaa: {  	[dreg:$0x4] =	wrdreg $0xC0  }
0xab: {  	_ =	task [dreg:s8], $0x5FFFF  }
0xac: {  	[dreg:$0x1] =	wrdreg $0xFFFFFFFF  }
0xad: {  	[dreg:$0x0] =	wrdreg $0x60  }
0xae: {  	[dreg:$0x2] =	wrdreg s0  }
0xaf: {  	[dreg:$0x3] =	wrdreg s17  }
0xb0: {  	[dreg:$0x4] =	wrdreg s2  }
0xb1: {  	[dreg:$0x5] =	wrdreg s3  }
0xb2: {  	[dreg:$0x6] =	wrdreg $0x8000  }
0xb3: {  	[dreg:$0x7] =	wrdreg $0x9  }
0xb4: {  	_ =	task.clear_ibuf [dreg:s8], $0x8FFFF;
	_ =	strace $0x90000046  }
0xb5: {  	s26 =	simm.s32 $0x9;
	_ =	strace $0x80000048  }
0xb6: {  	_ =	swait.ge [sflag:s26], $0x1  }
0xb7: {  	[sflag:s26] =	ssyncadd.s32 $0xFFFFFFFF  }
0xb8: {  	_ =	strace $0x90000048  }
0xb9: {  	_ =	sfence  }
0xba: {  	s28 =	sld [smem:$0x0];
	_ =	sdelay $0x1  }
0xbb: {  	s29 =	srdreg.scid  }
0xbc: {  	s30 =	sshll.u32 s29, $0xD;
	s31 =	sshrl.u32 s29, $0x2  }
0xbd: {  	s1 =	sand.u32 $0x1, s29;
	s2 =	sand.u32 $0x4000, s30;
	s0 =	sadd.s32 s31, s28  }
0xbe: {  	s1 =	sor.u32 s2, s1;
	s0 =	sshll.u32 s0, $0x11  }
0xbf: {  	s0 =	sor.u32 s0, s1  }
0xc0: {  	s0 =	sadd.s32 $0x8F2B, s0  }
0xc1: {  	[sflag:s0] =	ssyncadd.remote.s32 $0x1  }
0xc2: {  	_ =	sfence.sel $0xFFFF  }
0xc3: {  	[dreg:$0x0] =	wrdreg $0xFFFFFFFF;
	(pc) =	sbr.abs _section_cstart, $3  }
0xc4: {  	[dreg:$0x1] =	wrdreg $0xFFFFFFFF  }
0xc5: {  	_ =	task.clear_ibuf [dreg:s8], $0x2FFFF;
	_ =	strace $0x9FFFFFFF  }
0xc6: {  	(tm) =	ssettm $0x7FFFFFFF  }
0xc7: {  	_ =	shalt  }
tec
execute0_lowered:
.L_overlay_start_1:
0x0: {  	(tag) =	ssettag $0x1  }
0x1: {  	s4 =	rddreg [dreg:$0x0]  }
0x2: {  	s5 =	rddreg [dreg:$0x1]  }
0x3: {  	s6 =	rddreg [dreg:$0x2]  }
0x4: {  	s1 =	rddreg [dreg:$0x3];
	s2 =	stileid.u32  }
0x5: {  	s3 =	rddreg [dreg:$0x4];
	s7 =	simm.s32 $0x0;
	p0 =	sne.s32 s2, $0x0  }
0x6: {  	[smem:$0x7FF] =	sst s7;
	v0 =	vimm.f32 @!p0 $0.0e+00  }
0x7: {  	s0 =	rddreg [dreg:$0x5];
	_ =	strace $0x80000047;
	[tilespmem:$0x700] =	vst @!p0 v0  }
0x8: {  	[tilespmem:$0x710] =	vst @!p0 v0  }
0x9: {  	[tilespmem:$0x720] =	vst @!p0 v0  }
0xa: {  	[tilespmem:$0x730] =	vst @!p0 v0  }
0xb: {  	[tilespmem:$0x740] =	vst @!p0 v0  }
0xc: {  	[tilespmem:$0x750] =	vst @!p0 v0  }
0xd: {  	[tilespmem:$0x760] =	vst @!p0 v0  }
0xe: {  	s8 =	simm.s32 @!p0 $0x700;
	[tilespmem:$0x770] =	vst @!p0 v0  }
0xf: {  	[spmem:s3] =	stream.linear.scatter @!p0 [tilespmem:s8], [sflag:$0x2], $0x80, $0x38;
	[tilespmem:$0x808] =	vst v63  }
0x10: {  	s8 =	simm.s32 @!p0 $0x2  }
0x11: {  	_ =	swait.ge @!p0 [sflag:s8], $0x80  }
0x12: {  	[sflag:s8] =	ssyncset.done @!p0 $0x0  }
0x13: {  	v61 =	vimm.s32 $0x0;
	[sflag:s8] =	ssyncadd.s32 @!p0 $0xFFFFFF80  }
0x14: {  	s21 =	simm.s32 $0x2;
	[tilespmem:$0x780] =	vst v61  }
0x15: {  	[tilespmem:s7], [sflag:$0x2] =	stream.linear.gather [hbm4b:s4+s7], $0x1, $0x38;
	[tilespmem:$0x808] =	vst v63  }
0x16: {  	_ =	swait.ge [sflag:s21], $0x1  }
0x17: {  	[sflag:s21] =	ssyncset.done $0x0  }
0x18: {  	[sflag:s21] =	ssyncadd.s32 $0xFFFFFFFF  }
0x19: {  	v62 =	vld [tilespmem:$0x0];
	_ =	sdelay $0x4  }
0x1a: {  	(v2sf) =	vpush v62, $0x0;
	_ =	sdelay $0xe  }
0x1b: {  	v63 =	vlaneseq.u32;
	s22 =	sshrl.u32 s2, $0x1;
	s9 =	sshll.u32 s2, $0x2;
	s10 =	spop (v2sf)  }
0x1c: {  	s9 =	sand.u32 $0x4, s9;
	v0 =	vand.u32 $0x3, v63;
	s8 =	smul.u32 $0x20800, s22;
	s11 =	sshll.u32 s10, $0x3  }
0x1d: {  	v1 =	vmov s9;
	v0 =	vmul.u32 $0x80, v0;
	s23 =	sand.u32 $0x7FFFFC00, s11  }
0x1e: {  	v1 =	vshll.u32 v1, $0x7;
	s8 =	sadd.s32 s8, s23  }
0x1f: {  	v0 =	vor.u32 v0, v1;
	s24 =	sand.u32 $0x7F, s10;
	s8 =	sshrl.u32 s8, $0x3  }
0x20: {  	s25 =	simm.s32 $0x80;
	v0 =	vor.u32 s24, v0;
	s5 =	sadd.s32 s5, s8  }
0x21: {  	[tilespmem:s25], [sflag:$0x2] =	stream.linear.gather [hbm4b:s5+s7], $0x400, $0x38;
	[tilespmem:$0x808] =	vst v63  }
0x22: {  	_ =	swait.ge [sflag:s21], $0x400  }
0x23: {  	[sflag:s21] =	ssyncset.done $0x0  }
0x24: {  	[sflag:s21] =	ssyncadd.s32 $0xFFFFFC00  }
0x25: {  	v0 =	vld.idx.msk [tilespmem:v0+s25+$0x0], $0xffff;
	_ =	sdelay $0x4  }
0x26: {  	s26 =	simm.s32 $0x4;
	s28 =	simm.s32 $0x480;
	s29 =	simm.s32 $0x500;
	[tilespmem:$0x480] =	vst v0  }
0x27: {  	[tilespmem:s29], [sflag:$0x1] =	stream.indirect.gather [hbm4b:s6+s26], $0x80, s28, s26, $0xb8;
	[tilespmem:$0x808] =	vst v63  }
0x28: {  	s30 =	simm.s32 $0x1;
	[bflag:$0x0] =	sbarrier.arrive $0xFFFF  }
0x29: {  	_ =	swait.ge [sflag:s30], $0x200  }
0x2a: {  	[sflag:s30] =	ssyncset.done $0x0  }
0x2b: {  	s31 =	simm.s32 $0x780;
	[sflag:s30] =	ssyncadd.s32 $0xFFFFFE00  }
0x2c: {  	[spmem:s3] =	stream.indirect.scatter.add.f32 [tilespmem:s29], [sflag:$0x2], $0x80, s31, s26, $0xb8;
	[tilespmem:$0x808] =	vst v63  }
0x2d: {  	_ =	swait.ge [sflag:s21], $0x200  }
0x2e: {  	[sflag:s21] =	ssyncset.done $0x0  }
0x2f: {  	p1 =	sgt.u32 s2, $0x7;
	[sflag:s21] =	ssyncadd.s32 $0xFFFFFE00  }
0x30: {  	s4 =	simm.s32 @!p1 $0x700;
	[bflag:$0x0] =	sbarrier.arrive $0xFFFF  }
0x31: {  	[tilespmem:s4], [sflag:$0x2] =	stream.linear.gather @!p1 [spmem:s3], $0x80, $0x38;
	[tilespmem:$0x808] =	vst v63  }
0x32: {  	s3 =	simm.s32 @!p1 $0x2  }
0x33: {  	_ =	swait.ge @!p1 [sflag:s3], $0x80  }
0x34: {  	[sflag:s3] =	ssyncset.done @!p1 $0x0  }
0x35: {  	s4 =	sshll.u32 s2, $0x4;
	[sflag:s3] =	ssyncadd.s32 @!p1 $0xFFFFFF80  }
0x36: {  	v0 =	vld @!p1 [tilespmem:s4+$0x700];
	_ =	sdelay $0x4  }
0x37: {  	v0 =	vmul.f32 @!p1 $1.562500000e-02, v0  }
0x38: {  	s2 =	sshll.u32 s2, $0x1  }
0x39: {  	s5 =	sor.u32 $0x700, s4;
	s1 =	sadd.s32 s1, s2;
	s2 =	simm.s32 @!p1 $0x0;
	[tilespmem:s4+$0x700] =	vst @!p1 v0  }
0x3a: {  	[hbm4b:s1+s2] =	stream.linear.scatter @!p1 [tilespmem:s5], [sflag:$0x2], $0x10, $0x38;
	[tilespmem:$0x808] =	vst v63  }
0x3b: {  	_ =	swait.ge @!p1 [sflag:s3], $0x10  }
0x3c: {  	[sflag:s3] =	ssyncset.done @!p1 $0x0  }
0x3d: {  	[sflag:s3] =	ssyncadd.s32 @!p1 $0xFFFFFFF0  }
0x3e: {  	_ =	sfence.sel $0x180000  }
0x3f: {  	[bflag:$0x0] =	sbarrier.arrive $0xFFFF  }
0x40: {  	_ =	strace $0x90000047  }
0x41: {  	s0 =	sadd.s32 @!p0 $0x100000, s0;
	[bflag:$0x2] =	sbarrier.arrive $0xFFFF  }
0x42: {  	[sflag:s0] =	ssyncadd.tile.s32 @!p0 $0x1;
	_ =	shalt  }
.Lfunc_end2:
_tile_overlayer_lowered:
.L_overlay_start_2:
0x43: {  	(tag) =	ssettag $0x2  }
0x44: {  	s0 =	rddreg [dreg:$0x0];
	s2 =	stileid.u32  }
0x45: {  	s1 =	rddreg [dreg:$0x1];
	p0 =	sne.s32 s2, $0x0  }
0x46: {  	s3 =	rddreg [dreg:$0x2];
	[bflag:$0x3] =	sbarrier.arrive $0xFFFF;
	s2 =	simm.s32 @!p0 $0x1C02  }
0x47: {  	[timem:s3], [sflag:s2] =	dma.local @!p0 [hbm:s0], s1  }
0x48: {  	s0 =	simm.s32 @!p0 $0x2  }
0x49: {  	_ =	swait.ge @!p0 [sflag:s0], s1  }
0x4a: {  	s1 =	ssub.s32 @!p0 $0x0, s1;
	[sflag:s0] =	ssyncset.done @!p0 $0x0  }
0x4b: {  	[sflag:s0] =	ssyncadd.s32 @!p0 s1  }
0x4c: {  	[bflag:$0x3] =	sbarrier.arrive $0xFFFF  }
0x4d: {  	_ =	shalt  }

</sc_bundles>
